<compile_context>
chip_gen: v7x
topology: tpu7x:2x2x1
jax: 0.10.2.dev20260603
libtpu: 0.0.44.dev20260713+nightly
codegen_flags: <defaults>
</compile_context>

<pallas_src>
import functools

import jax
import jax.numpy as jnp
from jax import lax
from jax.experimental import pallas as pl
from jax.experimental.pallas import tpu as pltpu
from jax.experimental.pallas import tpu_sc as plsc

B, C, N = 4, 384, 576
M, HD = 8192, 256
T = B * N
MB = 2048
NMB = M // MB

_NC, _NS = 2, 16
_NW = _NC * _NS
_TPW = T // _NW


def _argmin_body(x_ref, w1_ref, b1_ref, m1_ref, emb_ref, idx_ref,
                 els_ref, best_ref, bidx_ref):
    j = pl.program_id(0)

    @pl.when(j == 0)
    def _init():
        for b in range(B):
            e_b = jnp.dot(w1_ref[...], x_ref[b],
                          preferred_element_type=jnp.float32) + b1_ref[...]
            e_b = jnp.maximum(e_b, 0.0)
            et = jnp.transpose(e_b)
            emb_ref[pl.ds(b * N, N), :] = et
            emx = jnp.max(et, axis=1, keepdims=True)
            sh = et - emx
            els_ref[pl.ds(b * N, N), :] = sh - jnp.log(
                jnp.sum(jnp.exp(sh), axis=1, keepdims=True))
        best_ref[...] = jnp.full((1, T), jnp.inf, jnp.float32)
        bidx_ref[...] = jnp.zeros((1, T), jnp.int32)

    mb = m1_ref[...]
    mx = jnp.max(mb, axis=1, keepdims=True)
    e = jnp.exp(mb - mx)
    s = jnp.sum(e, axis=1, keepdims=True)
    p = e / s
    ent = jnp.sum(p * jnp.log(p), axis=1, keepdims=True)

    cross = lax.dot_general(p, els_ref[...], (((1,), (1,)), ((), ())),
                            preferred_element_type=jnp.float32)
    kl = ent - cross
    bmin = jnp.min(kl, axis=0, keepdims=True)
    barg = jnp.argmin(kl, axis=0).astype(jnp.int32).reshape(1, T) + j * MB
    upd = bmin < best_ref[...]
    bidx_ref[...] = jnp.where(upd, barg, bidx_ref[...])
    best_ref[...] = jnp.where(upd, bmin, best_ref[...])

    @pl.when(j == NMB - 1)
    def _fin():
        idx_ref[...] = bidx_ref[...]


_argmin_call = pl.pallas_call(
    _argmin_body,
    grid=(NMB,),
    in_specs=[
        pl.BlockSpec((B, C, N), lambda j: (0, 0, 0)),
        pl.BlockSpec((HD, C), lambda j: (0, 0)),
        pl.BlockSpec((HD, 1), lambda j: (0, 0)),
        pl.BlockSpec((MB, HD), lambda j: (j, 0)),
    ],
    out_specs=[
        pl.BlockSpec((T, HD), lambda j: (0, 0)),
        pl.BlockSpec((1, T), lambda j: (0, 0)),
    ],
    out_shape=[
        jax.ShapeDtypeStruct((T, HD), jnp.float32),
        jax.ShapeDtypeStruct((1, T), jnp.int32),
    ],
    scratch_shapes=[
        pltpu.VMEM((T, HD), jnp.float32),
        pltpu.VMEM((1, T), jnp.float32),
        pltpu.VMEM((1, T), jnp.int32),
    ],
)


@functools.cache
def _make_gather_sc():
    @functools.partial(
        pl.kernel,
        mesh=plsc.VectorSubcoreMesh(core_axis_name="c", subcore_axis_name="s"),
        out_type=jax.ShapeDtypeStruct((T, HD), jnp.float32),
        scratch_types=[
            pltpu.VMEM((_TPW,), jnp.int32),
            pltpu.VMEM((_TPW, HD), jnp.float32),
            pltpu.SemaphoreType.DMA,
        ],
    )
    def _gather_body(table_hbm, idx_hbm, out_hbm, idx_v, rows_v, sem):
        wid = lax.axis_index("s") * _NC + lax.axis_index("c")
        base = wid * _TPW
        pltpu.sync_copy(idx_hbm.at[pl.ds(base, _TPW)], idx_v)
        pltpu.async_copy(table_hbm.at[idx_v], rows_v, sem).wait()
        pltpu.sync_copy(rows_v, out_hbm.at[pl.ds(base, _TPW)])

    return _gather_body


def _gather_sc(table, idx):
    return _make_gather_sc()(table, idx)


def _out_body(emb_ref, g_ref, w2t_ref, b2_ref, out_ref):
    e_b = emb_ref[...]
    cat = jnp.concatenate([e_b, e_b - g_ref[...]], axis=1)
    out_ref[...] = jnp.dot(cat, w2t_ref[...],
                           preferred_element_type=jnp.float32) + b2_ref[...]


_out_call = pl.pallas_call(
    _out_body,
    grid=(B,),
    in_specs=[
        pl.BlockSpec((N, HD), lambda b: (b, 0)),
        pl.BlockSpec((N, HD), lambda b: (b, 0)),
        pl.BlockSpec((2 * HD, HD), lambda b: (0, 0)),
        pl.BlockSpec((1, HD), lambda b: (0, 0)),
    ],
    out_specs=pl.BlockSpec((N, HD), lambda b: (b, 0)),
    out_shape=jax.ShapeDtypeStruct((T, HD), jnp.float32),
)


def kernel(input, m1, W1, b1, W2, b2):
    x = input[..., 0]
    emb_t, idx = _argmin_call(x, W1, b1.reshape(HD, 1), m1)
    g = _gather_sc(m1, idx.reshape(T))
    out_t = _out_call(emb_t, g, W2.T, b2.reshape(1, HD))
    return out_t.reshape(B, N, HD).transpose(0, 2, 1)[..., None]

# --- scband reference (transcript-rebuilt; emitter-appended) ---
"""Pipeline reference for scband-res-memory-66529043415390 (READ-ONLY COPY).

The authoritative reference and input builder live on the scoring server;
editing this copy changes nothing except your own understanding.
"""

import jax, jax.numpy as jnp
import numpy as np

B, INPUT_DIM, N = 4, 384, 576
M, HD = 8192, 256

def setup_inputs(seed: int = 0) -> dict:
    key = jax.random.key(seed)
    ks = jax.random.split(key, 6)
    x = jax.random.normal(ks[0], (B, INPUT_DIM, N, 1), dtype=jnp.float32)
    limit = float(np.sqrt(6.0 / (M + HD)))
    m1 = jax.random.uniform(ks[1], (M, HD), minval=-limit, maxval=limit, dtype=jnp.float32)
    W1 = jax.random.normal(ks[2], (HD, INPUT_DIM), dtype=jnp.float32) * 0.05
    b1 = jnp.zeros((HD,), dtype=jnp.float32)
    W2 = jax.random.normal(ks[3], (HD, 2 * HD), dtype=jnp.float32) * 0.05
    b2 = jnp.zeros((HD,), dtype=jnp.float32)
    return {"input": x, "m1": m1, "W1": W1, "b1": b1, "W2": W2, "b2": b2}

def reference(input, m1, W1, b1, W2, b2):
    # conv1 is a 1x1 conv => pointwise matmul over channel dim; W=1 is squeezed
    x = input[..., 0]  # [B, C_in, N]
    emb = jax.nn.relu(jnp.einsum('oc,bcn->bon', W1, x) + b1[None, :, None])  # [B, HD, N]
    # codebook softmax
    m_soft = jax.nn.softmax(m1, axis=-1)  # [M, HD]
    # token distribution (log-softmax over hidden dim); log(softmax(.)) == log_softmax(.)
    emb_log_soft = jax.nn.log_softmax(jnp.transpose(emb, (0, 2, 1)), axis=-1)  # [B, N, HD]
    # KL(m || emb): sum(m*log m) - sum(m*log emb_soft); cross term as matmul (same math, no [B,N,M,HD] blowup)
    ent = jnp.sum(m_soft * jnp.log(m_soft), axis=-1)  # [M]
    cross = jnp.einsum('mh,bnh->bnm', m_soft, emb_log_soft)  # [B, N, M]
    kl = ent[None, None, :] - cross  # [B, N, M]
    m1_index = jnp.argmin(kl, axis=-1)  # [B, N]
    m1_sel = jnp.transpose(m1[m1_index], (0, 2, 1))  # [B, HD, N]
    residual = emb - m1_sel
    cat = jnp.concatenate([emb, residual], axis=1)  # [B, 2*HD, N]
    out = jnp.einsum('oc,bcn->bon', W2, cat) + b2[None, :, None]  # conv2 1x1
    return out[..., None]  # [B, HD, N, 1]

if __name__ == "__main__":
    import jax
    _d = setup_inputs()
    print(jax.jit(kernel)(*tuple(_d.values())))

</pallas_src>

<mosaic_0001>
#map = affine_map<(d0, d1) -> (0, 0)>
#map1 = affine_map<(d0, d1) -> (0)>
module attributes {stable_mosaic.version = 14 : i64} {
  func.func @_gather_body(%arg0: i32, %arg1: i32, %arg2: memref<8192x256xf32, #tpu.memory_space<hbm>>, %arg3: memref<2304xi32, #tpu.memory_space<hbm>>, %arg4: memref<2304x256xf32, #tpu.memory_space<hbm>>, %arg5: memref<72xi32, #tpu.memory_space<vmem>>, %arg6: memref<72x256xf32, #tpu.memory_space<vmem>>, %arg7: memref<!tpu.dma_semaphore, #tpu.memory_space<semaphore_mem>>) attributes {dimension_semantics = [#tpu.dimension_semantics<core_parallel>, #tpu.dimension_semantics<subcore_parallel>], iteration_bounds = array<i64: 2, 16>, scalar_prefetch = 0 : i64, scratch_operands = 3 : i64, tpu.core_type = #tpu.core_type<sc_vector_subcore>, window_params = [{transform_indices = #map}, {transform_indices = #map1}, {transform_indices = #map}]} {
    %mul3A = arith.constant 2 : i32
    %mul3A_0 = arith.muli %arg1, %mul3A : i32
    %add3A = arith.addi %mul3A_0, %arg0 : i32
    %mul3A_1 = arith.constant 72 : i32
    %mul3A_2 = arith.muli %add3A, %mul3A_1 : i32
    "tpu.region"() ({
      %run_scoped3A = tpu.sem_alloc : memref<!tpu.dma_semaphore, #tpu.memory_space<semaphore_mem>>
      %dma_start3A_7 = tpu.memref_slice %arg3[%mul3A_2] : memref<2304xi32, #tpu.memory_space<hbm>> -> memref<72xi32, #tpu.memory_space<hbm>>
      %dma_start3A_8 = tpu.memref_slice %arg3[%mul3A_2] : memref<2304xi32, #tpu.memory_space<hbm>> -> memref<72xi32, #tpu.memory_space<hbm>>
      tpu.enqueue_dma source(%dma_start3A_8 : memref<72xi32, #tpu.memory_space<hbm>>) target(%arg5 : memref<72xi32, #tpu.memory_space<vmem>>) target_semaphore(%run_scoped3A : memref<!tpu.dma_semaphore, #tpu.memory_space<semaphore_mem>>)
      %dma_wait3A_9 = tpu.memref_slice %arg3[%mul3A_2] : memref<2304xi32, #tpu.memory_space<hbm>> -> memref<72xi32, #tpu.memory_space<hbm>>
      %dma_wait3A_10 = tpu.memref_slice %arg3[%mul3A_2] : memref<2304xi32, #tpu.memory_space<hbm>> -> memref<72xi32, #tpu.memory_space<hbm>>
      tpu.wait_dma2 semaphore(%run_scoped3A : memref<!tpu.dma_semaphore, #tpu.memory_space<semaphore_mem>>) src(%dma_wait3A_10 : memref<72xi32, #tpu.memory_space<hbm>>) dst(%arg5 : memref<72xi32, #tpu.memory_space<vmem>>)
      tpu.yield
    }) : () -> ()
    %dma_start3A = arith.constant 0 : i32
    %dma_start3A_3 = arith.constant 0 : i32
    %dma_start3A_4 = tpu.memref_slice %arg2[%dma_start3A, %dma_start3A_3] : memref<8192x256xf32, #tpu.memory_space<hbm>> -> memref<8192x256xf32, #tpu.memory_space<hbm>>
    tpu.enqueue_indirect_dma source(%dma_start3A_4 : memref<8192x256xf32, #tpu.memory_space<hbm>>) target(%arg6 : memref<72x256xf32, #tpu.memory_space<vmem>>) offsets(%arg5 : memref<72xi32, #tpu.memory_space<vmem>>) semaphore(%arg7 : memref<!tpu.dma_semaphore, #tpu.memory_space<semaphore_mem>>)
    %dma_wait3A = arith.constant 0 : i32
    %dma_wait3A_5 = arith.constant 0 : i32
    %dma_wait3A_6 = tpu.memref_slice %arg2[%dma_wait3A, %dma_wait3A_5] : memref<8192x256xf32, #tpu.memory_space<hbm>> -> memref<8192x256xf32, #tpu.memory_space<hbm>>
    tpu.wait_indirect_dma semaphore(%arg7 : memref<!tpu.dma_semaphore, #tpu.memory_space<semaphore_mem>>) src(%dma_wait3A_6 : memref<8192x256xf32, #tpu.memory_space<hbm>>) dst(%arg6 : memref<72x256xf32, #tpu.memory_space<vmem>>)
    "tpu.region"() ({
      %run_scoped3A = tpu.sem_alloc : memref<!tpu.dma_semaphore, #tpu.memory_space<semaphore_mem>>
      %dma_start3A_7 = arith.constant 0 : i32
      %dma_start3A_8 = tpu.memref_slice %arg4[%mul3A_2, %dma_start3A_7] : memref<2304x256xf32, #tpu.memory_space<hbm>> -> memref<72x256xf32, #tpu.memory_space<hbm>>
      %dma_start3A_9 = arith.constant 0 : i32
      %dma_start3A_10 = tpu.memref_slice %arg4[%mul3A_2, %dma_start3A_9] : memref<2304x256xf32, #tpu.memory_space<hbm>> -> memref<72x256xf32, #tpu.memory_space<hbm>>
      tpu.enqueue_dma source(%arg6 : memref<72x256xf32, #tpu.memory_space<vmem>>) target(%dma_start3A_10 : memref<72x256xf32, #tpu.memory_space<hbm>>) target_semaphore(%run_scoped3A : memref<!tpu.dma_semaphore, #tpu.memory_space<semaphore_mem>>)
      %dma_wait3A_11 = arith.constant 0 : i32
      %dma_wait3A_12 = tpu.memref_slice %arg4[%mul3A_2, %dma_wait3A_11] : memref<2304x256xf32, #tpu.memory_space<hbm>> -> memref<72x256xf32, #tpu.memory_space<hbm>>
      %dma_wait3A_13 = arith.constant 0 : i32
      %dma_wait3A_14 = tpu.memref_slice %arg4[%mul3A_2, %dma_wait3A_13] : memref<2304x256xf32, #tpu.memory_space<hbm>> -> memref<72x256xf32, #tpu.memory_space<hbm>>
      tpu.wait_dma2 semaphore(%run_scoped3A : memref<!tpu.dma_semaphore, #tpu.memory_space<semaphore_mem>>) src(%arg6 : memref<72x256xf32, #tpu.memory_space<vmem>>) dst(%dma_wait3A_14 : memref<72x256xf32, #tpu.memory_space<hbm>>)
      tpu.yield
    }) : () -> ()
    return
  }
}

module attributes {stable_mosaic.version = 14 : i64} {
  func.func @_argmin_body(%arg0: i32, %arg1: memref<4x384x576xf32, #tpu.memory_space<vmem>>, %arg2: memref<256x384xf32, #tpu.memory_space<vmem>>, %arg3: memref<256x1xf32, #tpu.memory_space<vmem>>, %arg4: memref<2048x256xf32, #tpu.memory_space<vmem>>, %arg5: memref<2304x256xf32, #tpu.memory_space<vmem>>, %arg6: memref<1x2304xi32, #tpu.memory_space<vmem>>, %arg7: memref<2304x256xf32, #tpu.memory_space<vmem>>, %arg8: memref<1x2304xf32, #tpu.memory_space<vmem>>, %arg9: memref<1x2304xi32, #tpu.memory_space<vmem>>) attributes {dimension_semantics = [#tpu.dimension_semantics<arbitrary>], iteration_bounds = array<i64: 4>, scalar_prefetch = 0 : i64, scratch_operands = 3 : i64, tpu.core_type = #tpu.core_type<tc>, window_params = [{pipeline_mode = #tpu.pipeline_mode<synchronous>, transform_indices = @transform_0, window_bounds = array<i64: 4, 384, 576>}, {pipeline_mode = #tpu.pipeline_mode<synchronous>, transform_indices = @transform_1, window_bounds = array<i64: 256, 384>}, {pipeline_mode = #tpu.pipeline_mode<synchronous>, transform_indices = @transform_2, window_bounds = array<i64: 256, 1>}, {transform_indices = @transform_3, window_bounds = array<i64: 2048, 256>}, {pipeline_mode = #tpu.pipeline_mode<synchronous>, transform_indices = @transform_4, window_bounds = array<i64: 2304, 256>}, {pipeline_mode = #tpu.pipeline_mode<synchronous>, transform_indices = @transform_5, window_bounds = array<i64: 1, 2304>}]} {
    %eq3A = arith.constant 0 : i32
    %eq3A_0 = arith.cmpi eq, %arg0, %eq3A : i32
    %convert_element_type3A = arith.extui %eq3A_0 : i1 to i32
    %cond3A = arith.constant 0 : i32
    %cond3A_1 = arith.cmpi ne, %convert_element_type3A, %cond3A : i32
    scf.if %cond3A_1 {
      %get3A_43 = arith.constant 0 : index
      %get3A_44 = arith.constant 0 : index
      %get3A_45 = vector.load %arg2[%get3A_43, %get3A_44] : memref<256x384xf32, #tpu.memory_space<vmem>>, vector<256x384xf32>
      %get3A_46 = arith.constant 0 : index
      %get3A_47 = arith.constant 0 : index
      %get3A_48 = arith.constant 0 : index
      %get3A_49 = vector.load %arg1[%get3A_46, %get3A_47, %get3A_48] : memref<4x384x576xf32, #tpu.memory_space<vmem>>, vector<1x384x576xf32>
      %get3A_50 = vector.shape_cast %get3A_49 : vector<1x384x576xf32> to vector<384x576xf32>
      %dot_general3A_51 = arith.constant dense<0.000000e+00> : vector<256x576xf32>
      %dot_general3A_52 = tpu.matmul %get3A_45, %get3A_50, %dot_general3A_51 {dimension_numbers = #tpu.dot_dimension_numbers<[1], [0], [0], [1], [0, 0, 1, 1], [], []>, transpose_lhs_hint = false} : vector<256x384xf32>, vector<384x576xf32>, vector<256x576xf32> -> vector<256x576xf32>
      %get3A_53 = arith.constant 0 : index
      %get3A_54 = arith.constant 0 : index
      %get3A_55 = vector.load %arg3[%get3A_53, %get3A_54] : memref<256x1xf32, #tpu.memory_space<vmem>>, vector<256x1xf32>
      %add3A_56 = vector.broadcast %get3A_55 : vector<256x1xf32> to vector<256x576xf32>
      %add3A_57 = arith.addf %dot_general3A_52, %add3A_56 : vector<256x576xf32>
      %max3A = arith.constant 0.000000e+00 : f32
      %max3A_58 = vector.broadcast %max3A : f32 to vector<256x576xf32>
      %max3A_59 = arith.maximumf %add3A_57, %max3A_58 : vector<256x576xf32>
      %transpose3A = tpu.transpose %max3A_59, [1, 0] : vector<256x576xf32> -> vector<576x256xf32>
      %swap3A_60 = arith.constant 0 : index
      %swap3A_61 = arith.constant 0 : index
      %swap3A_62 = vector.load %arg5[%swap3A_60, %swap3A_61] : memref<2304x256xf32, #tpu.memory_space<vmem>>, vector<576x256xf32>
      tpu.vector_store %arg5[%swap3A_60, %swap3A_61], %transpose3A {strides = array<i32>} : memref<2304x256xf32, #tpu.memory_space<vmem>>, vector<576x256xf32>,
      %reduce_max3A_63 = arith.constant dense<0xFF800000> : vector<576xf32>
      %reduce_max3A_64 = vector.multi_reduction <maximumf>, %transpose3A, %reduce_max3A_63 [1] : vector<576x256xf32> to vector<576xf32>
      %broadcast_in_dim3A_65 = vector.shape_cast %reduce_max3A_64 : vector<576xf32> to vector<576x1xf32>
      %sub3A_66 = vector.broadcast %broadcast_in_dim3A_65 : vector<576x1xf32> to vector<576x256xf32>
      %sub3A_67 = arith.subf %transpose3A, %sub3A_66 : vector<576x256xf32>
      %exp3A_68 = math.exp %sub3A_67 : vector<576x256xf32>
      %reduce_sum3A_69 = arith.constant dense<0.000000e+00> : vector<576xf32>
      %reduce_sum3A_70 = vector.multi_reduction <add>, %exp3A_68, %reduce_sum3A_69 [1] : vector<576x256xf32> to vector<576xf32>
      %broadcast_in_dim3A_71 = vector.shape_cast %reduce_sum3A_70 : vector<576xf32> to vector<576x1xf32>
      %log3A_72 = math.log %broadcast_in_dim3A_71 : vector<576x1xf32>
      %sub3A_73 = vector.broadcast %log3A_72 : vector<576x1xf32> to vector<576x256xf32>
      %sub3A_74 = arith.subf %sub3A_67, %sub3A_73 : vector<576x256xf32>
      %swap3A_75 = arith.constant 0 : index
      %swap3A_76 = arith.constant 0 : index
      %swap3A_77 = vector.load %arg7[%swap3A_75, %swap3A_76] : memref<2304x256xf32, #tpu.memory_space<vmem>>, vector<576x256xf32>
      tpu.vector_store %arg7[%swap3A_75, %swap3A_76], %sub3A_74 {strides = array<i32>} : memref<2304x256xf32, #tpu.memory_space<vmem>>, vector<576x256xf32>,
      %get3A_78 = arith.constant 0 : index
      %get3A_79 = arith.constant 0 : index
      %get3A_80 = vector.load %arg2[%get3A_78, %get3A_79] : memref<256x384xf32, #tpu.memory_space<vmem>>, vector<256x384xf32>
      %get3A_81 = arith.constant 1 : index
      %get3A_82 = arith.constant 0 : index
      %get3A_83 = arith.constant 0 : index
      %get3A_84 = vector.load %arg1[%get3A_81, %get3A_82, %get3A_83] : memref<4x384x576xf32, #tpu.memory_space<vmem>>, vector<1x384x576xf32>
      %get3A_85 = vector.shape_cast %get3A_84 : vector<1x384x576xf32> to vector<384x576xf32>
      %dot_general3A_86 = arith.constant dense<0.000000e+00> : vector<256x576xf32>
      %dot_general3A_87 = tpu.matmul %get3A_80, %get3A_85, %dot_general3A_86 {dimension_numbers = #tpu.dot_dimension_numbers<[1], [0], [0], [1], [0, 0, 1, 1], [], []>, transpose_lhs_hint = false} : vector<256x384xf32>, vector<384x576xf32>, vector<256x576xf32> -> vector<256x576xf32>
      %get3A_88 = arith.constant 0 : index
      %get3A_89 = arith.constant 0 : index
      %get3A_90 = vector.load %arg3[%get3A_88, %get3A_89] : memref<256x1xf32, #tpu.memory_space<vmem>>, vector<256x1xf32>
      %add3A_91 = vector.broadcast %get3A_90 : vector<256x1xf32> to vector<256x576xf32>
      %add3A_92 = arith.addf %dot_general3A_87, %add3A_91 : vector<256x576xf32>
      %max3A_93 = arith.constant 0.000000e+00 : f32
      %max3A_94 = vector.broadcast %max3A_93 : f32 to vector<256x576xf32>
      %max3A_95 = arith.maximumf %add3A_92, %max3A_94 : vector<256x576xf32>
      %transpose3A_96 = tpu.transpose %max3A_95, [1, 0] : vector<256x576xf32> -> vector<576x256xf32>
      %swap3A_97 = arith.constant 576 : index
      %swap3A_98 = arith.constant 0 : index
      %swap3A_99 = vector.load %arg5[%swap3A_97, %swap3A_98] : memref<2304x256xf32, #tpu.memory_space<vmem>>, vector<576x256xf32>
      tpu.vector_store %arg5[%swap3A_97, %swap3A_98], %transpose3A_96 {strides = array<i32>} : memref<2304x256xf32, #tpu.memory_space<vmem>>, vector<576x256xf32>,
      %reduce_max3A_100 = arith.constant dense<0xFF800000> : vector<576xf32>
      %reduce_max3A_101 = vector.multi_reduction <maximumf>, %transpose3A_96, %reduce_max3A_100 [1] : vector<576x256xf32> to vector<576xf32>
      %broadcast_in_dim3A_102 = vector.shape_cast %reduce_max3A_101 : vector<576xf32> to vector<576x1xf32>
      %sub3A_103 = vector.broadcast %broadcast_in_dim3A_102 : vector<576x1xf32> to vector<576x256xf32>
      %sub3A_104 = arith.subf %transpose3A_96, %sub3A_103 : vector<576x256xf32>
      %exp3A_105 = math.exp %sub3A_104 : vector<576x256xf32>
      %reduce_sum3A_106 = arith.constant dense<0.000000e+00> : vector<576xf32>
      %reduce_sum3A_107 = vector.multi_reduction <add>, %exp3A_105, %reduce_sum3A_106 [1] : vector<576x256xf32> to vector<576xf32>
      %broadcast_in_dim3A_108 = vector.shape_cast %reduce_sum3A_107 : vector<576xf32> to vector<576x1xf32>
      %log3A_109 = math.log %broadcast_in_dim3A_108 : vector<576x1xf32>
      %sub3A_110 = vector.broadcast %log3A_109 : vector<576x1xf32> to vector<576x256xf32>
      %sub3A_111 = arith.subf %sub3A_104, %sub3A_110 : vector<576x256xf32>
      %swap3A_112 = arith.constant 576 : index
      %swap3A_113 = arith.constant 0 : index
      %swap3A_114 = vector.load %arg7[%swap3A_112, %swap3A_113] : memref<2304x256xf32, #tpu.memory_space<vmem>>, vector<576x256xf32>
      tpu.vector_store %arg7[%swap3A_112, %swap3A_113], %sub3A_111 {strides = array<i32>} : memref<2304x256xf32, #tpu.memory_space<vmem>>, vector<576x256xf32>,
      %get3A_115 = arith.constant 0 : index
      %get3A_116 = arith.constant 0 : index
      %get3A_117 = vector.load %arg2[%get3A_115, %get3A_116] : memref<256x384xf32, #tpu.memory_space<vmem>>, vector<256x384xf32>
      %get3A_118 = arith.constant 2 : index
      %get3A_119 = arith.constant 0 : index
      %get3A_120 = arith.constant 0 : index
      %get3A_121 = vector.load %arg1[%get3A_118, %get3A_119, %get3A_120] : memref<4x384x576xf32, #tpu.memory_space<vmem>>, vector<1x384x576xf32>
      %get3A_122 = vector.shape_cast %get3A_121 : vector<1x384x576xf32> to vector<384x576xf32>
      %dot_general3A_123 = arith.constant dense<0.000000e+00> : vector<256x576xf32>
      %dot_general3A_124 = tpu.matmul %get3A_117, %get3A_122, %dot_general3A_123 {dimension_numbers = #tpu.dot_dimension_numbers<[1], [0], [0], [1], [0, 0, 1, 1], [], []>, transpose_lhs_hint = false} : vector<256x384xf32>, vector<384x576xf32>, vector<256x576xf32> -> vector<256x576xf32>
      %get3A_125 = arith.constant 0 : index
      %get3A_126 = arith.constant 0 : index
      %get3A_127 = vector.load %arg3[%get3A_125, %get3A_126] : memref<256x1xf32, #tpu.memory_space<vmem>>, vector<256x1xf32>
      %add3A_128 = vector.broadcast %get3A_127 : vector<256x1xf32> to vector<256x576xf32>
      %add3A_129 = arith.addf %dot_general3A_124, %add3A_128 : vector<256x576xf32>
      %max3A_130 = arith.constant 0.000000e+00 : f32
      %max3A_131 = vector.broadcast %max3A_130 : f32 to vector<256x576xf32>
      %max3A_132 = arith.maximumf %add3A_129, %max3A_131 : vector<256x576xf32>
      %transpose3A_133 = tpu.transpose %max3A_132, [1, 0] : vector<256x576xf32> -> vector<576x256xf32>
      %swap3A_134 = arith.constant 1152 : index
      %swap3A_135 = arith.constant 0 : index
      %swap3A_136 = vector.load %arg5[%swap3A_134, %swap3A_135] : memref<2304x256xf32, #tpu.memory_space<vmem>>, vector<576x256xf32>
      tpu.vector_store %arg5[%swap3A_134, %swap3A_135], %transpose3A_133 {strides = array<i32>} : memref<2304x256xf32, #tpu.memory_space<vmem>>, vector<576x256xf32>,
      %reduce_max3A_137 = arith.constant dense<0xFF800000> : vector<576xf32>
      %reduce_max3A_138 = vector.multi_reduction <maximumf>, %transpose3A_133, %reduce_max3A_137 [1] : vector<576x256xf32> to vector<576xf32>
      %broadcast_in_dim3A_139 = vector.shape_cast %reduce_max3A_138 : vector<576xf32> to vector<576x1xf32>
      %sub3A_140 = vector.broadcast %broadcast_in_dim3A_139 : vector<576x1xf32> to vector<576x256xf32>
      %sub3A_141 = arith.subf %transpose3A_133, %sub3A_140 : vector<576x256xf32>
      %exp3A_142 = math.exp %sub3A_141 : vector<576x256xf32>
      %reduce_sum3A_143 = arith.constant dense<0.000000e+00> : vector<576xf32>
      %reduce_sum3A_144 = vector.multi_reduction <add>, %exp3A_142, %reduce_sum3A_143 [1] : vector<576x256xf32> to vector<576xf32>
      %broadcast_in_dim3A_145 = vector.shape_cast %reduce_sum3A_144 : vector<576xf32> to vector<576x1xf32>
      %log3A_146 = math.log %broadcast_in_dim3A_145 : vector<576x1xf32>
      %sub3A_147 = vector.broadcast %log3A_146 : vector<576x1xf32> to vector<576x256xf32>
      %sub3A_148 = arith.subf %sub3A_141, %sub3A_147 : vector<576x256xf32>
      %swap3A_149 = arith.constant 1152 : index
      %swap3A_150 = arith.constant 0 : index
      %swap3A_151 = vector.load %arg7[%swap3A_149, %swap3A_150] : memref<2304x256xf32, #tpu.memory_space<vmem>>, vector<576x256xf32>
      tpu.vector_store %arg7[%swap3A_149, %swap3A_150], %sub3A_148 {strides = array<i32>} : memref<2304x256xf32, #tpu.memory_space<vmem>>, vector<576x256xf32>,
      %get3A_152 = arith.constant 0 : index
      %get3A_153 = arith.constant 0 : index
      %get3A_154 = vector.load %arg2[%get3A_152, %get3A_153] : memref<256x384xf32, #tpu.memory_space<vmem>>, vector<256x384xf32>
      %get3A_155 = arith.constant 3 : index
      %get3A_156 = arith.constant 0 : index
      %get3A_157 = arith.constant 0 : index
      %get3A_158 = vector.load %arg1[%get3A_155, %get3A_156, %get3A_157] : memref<4x384x576xf32, #tpu.memory_space<vmem>>, vector<1x384x576xf32>
      %get3A_159 = vector.shape_cast %get3A_158 : vector<1x384x576xf32> to vector<384x576xf32>
      %dot_general3A_160 = arith.constant dense<0.000000e+00> : vector<256x576xf32>
      %dot_general3A_161 = tpu.matmul %get3A_154, %get3A_159, %dot_general3A_160 {dimension_numbers = #tpu.dot_dimension_numbers<[1], [0], [0], [1], [0, 0, 1, 1], [], []>, transpose_lhs_hint = false} : vector<256x384xf32>, vector<384x576xf32>, vector<256x576xf32> -> vector<256x576xf32>
      %get3A_162 = arith.constant 0 : index
      %get3A_163 = arith.constant 0 : index
      %get3A_164 = vector.load %arg3[%get3A_162, %get3A_163] : memref<256x1xf32, #tpu.memory_space<vmem>>, vector<256x1xf32>
      %add3A_165 = vector.broadcast %get3A_164 : vector<256x1xf32> to vector<256x576xf32>
      %add3A_166 = arith.addf %dot_general3A_161, %add3A_165 : vector<256x576xf32>
      %max3A_167 = arith.constant 0.000000e+00 : f32
      %max3A_168 = vector.broadcast %max3A_167 : f32 to vector<256x576xf32>
      %max3A_169 = arith.maximumf %add3A_166, %max3A_168 : vector<256x576xf32>
      %transpose3A_170 = tpu.transpose %max3A_169, [1, 0] : vector<256x576xf32> -> vector<576x256xf32>
      %swap3A_171 = arith.constant 1728 : index
      %swap3A_172 = arith.constant 0 : index
      %swap3A_173 = vector.load %arg5[%swap3A_171, %swap3A_172] : memref<2304x256xf32, #tpu.memory_space<vmem>>, vector<576x256xf32>
      tpu.vector_store %arg5[%swap3A_171, %swap3A_172], %transpose3A_170 {strides = array<i32>} : memref<2304x256xf32, #tpu.memory_space<vmem>>, vector<576x256xf32>,
      %reduce_max3A_174 = arith.constant dense<0xFF800000> : vector<576xf32>
      %reduce_max3A_175 = vector.multi_reduction <maximumf>, %transpose3A_170, %reduce_max3A_174 [1] : vector<576x256xf32> to vector<576xf32>
      %broadcast_in_dim3A_176 = vector.shape_cast %reduce_max3A_175 : vector<576xf32> to vector<576x1xf32>
      %sub3A_177 = vector.broadcast %broadcast_in_dim3A_176 : vector<576x1xf32> to vector<576x256xf32>
      %sub3A_178 = arith.subf %transpose3A_170, %sub3A_177 : vector<576x256xf32>
      %exp3A_179 = math.exp %sub3A_178 : vector<576x256xf32>
      %reduce_sum3A_180 = arith.constant dense<0.000000e+00> : vector<576xf32>
      %reduce_sum3A_181 = vector.multi_reduction <add>, %exp3A_179, %reduce_sum3A_180 [1] : vector<576x256xf32> to vector<576xf32>
      %broadcast_in_dim3A_182 = vector.shape_cast %reduce_sum3A_181 : vector<576xf32> to vector<576x1xf32>
      %log3A_183 = math.log %broadcast_in_dim3A_182 : vector<576x1xf32>
      %sub3A_184 = vector.broadcast %log3A_183 : vector<576x1xf32> to vector<576x256xf32>
      %sub3A_185 = arith.subf %sub3A_178, %sub3A_184 : vector<576x256xf32>
      %swap3A_186 = arith.constant 1728 : index
      %swap3A_187 = arith.constant 0 : index
      %swap3A_188 = vector.load %arg7[%swap3A_186, %swap3A_187] : memref<2304x256xf32, #tpu.memory_space<vmem>>, vector<576x256xf32>
      tpu.vector_store %arg7[%swap3A_186, %swap3A_187], %sub3A_185 {strides = array<i32>} : memref<2304x256xf32, #tpu.memory_space<vmem>>, vector<576x256xf32>,
      %broadcast_in_dim3A_189 = arith.constant 0x7F800000 : f32
      %broadcast_in_dim3A_190 = vector.broadcast %broadcast_in_dim3A_189 : f32 to vector<1x2304xf32>
      %swap3A_191 = arith.constant 0 : index
      %swap3A_192 = arith.constant 0 : index
      %swap3A_193 = vector.load %arg8[%swap3A_191, %swap3A_192] : memref<1x2304xf32, #tpu.memory_space<vmem>>, vector<1x2304xf32>
      tpu.vector_store %arg8[%swap3A_191, %swap3A_192], %broadcast_in_dim3A_190 {strides = array<i32>} : memref<1x2304xf32, #tpu.memory_space<vmem>>, vector<1x2304xf32>,
      %broadcast_in_dim3A_194 = arith.constant 0 : i32
      %broadcast_in_dim3A_195 = vector.broadcast %broadcast_in_dim3A_194 : i32 to vector<1x2304xi32>
      %swap3A_196 = arith.constant 0 : index
      %swap3A_197 = arith.constant 0 : index
      %swap3A_198 = vector.load %arg9[%swap3A_196, %swap3A_197] : memref<1x2304xi32, #tpu.memory_space<vmem>>, vector<1x2304xi32>
      tpu.vector_store %arg9[%swap3A_196, %swap3A_197], %broadcast_in_dim3A_195 {strides = array<i32>} : memref<1x2304xi32, #tpu.memory_space<vmem>>, vector<1x2304xi32>,
    } else {
    }
    %get3A = arith.constant 0 : index
    %get3A_2 = arith.constant 0 : index
    %get3A_3 = vector.load %arg4[%get3A, %get3A_2] : memref<2048x256xf32, #tpu.memory_space<vmem>>, vector<2048x256xf32>
    %reduce_max3A = arith.constant dense<0xFF800000> : vector<2048xf32>
    %reduce_max3A_4 = vector.multi_reduction <maximumf>, %get3A_3, %reduce_max3A [1] : vector<2048x256xf32> to vector<2048xf32>
    %broadcast_in_dim3A = vector.shape_cast %reduce_max3A_4 : vector<2048xf32> to vector<2048x1xf32>
    %sub3A = vector.broadcast %broadcast_in_dim3A : vector<2048x1xf32> to vector<2048x256xf32>
    %sub3A_5 = arith.subf %get3A_3, %sub3A : vector<2048x256xf32>
    %exp3A = math.exp %sub3A_5 : vector<2048x256xf32>
    %reduce_sum3A = arith.constant dense<0.000000e+00> : vector<2048xf32>
    %reduce_sum3A_6 = vector.multi_reduction <add>, %exp3A, %reduce_sum3A [1] : vector<2048x256xf32> to vector<2048xf32>
    %broadcast_in_dim3A_7 = vector.shape_cast %reduce_sum3A_6 : vector<2048xf32> to vector<2048x1xf32>
    %div3A = vector.broadcast %broadcast_in_dim3A_7 : vector<2048x1xf32> to vector<2048x256xf32>
    %div3A_8 = arith.divf %exp3A, %div3A : vector<2048x256xf32>
    %log3A = math.log %div3A_8 : vector<2048x256xf32>
    %mul3A = arith.mulf %div3A_8, %log3A : vector<2048x256xf32>
    %reduce_sum3A_9 = arith.constant dense<0.000000e+00> : vector<2048xf32>
    %reduce_sum3A_10 = vector.multi_reduction <add>, %mul3A, %reduce_sum3A_9 [1] : vector<2048x256xf32> to vector<2048xf32>
    %broadcast_in_dim3A_11 = vector.shape_cast %reduce_sum3A_10 : vector<2048xf32> to vector<2048x1xf32>
    %get3A_12 = arith.constant 0 : index
    %get3A_13 = arith.constant 0 : index
    %get3A_14 = vector.load %arg7[%get3A_12, %get3A_13] : memref<2304x256xf32, #tpu.memory_space<vmem>>, vector<2304x256xf32>
    %dot_general3A = arith.constant dense<0.000000e+00> : vector<2048x2304xf32>
    %dot_general3A_15 = tpu.matmul %div3A_8, %get3A_14, %dot_general3A {dimension_numbers = #tpu.dot_dimension_numbers<[1], [1], [0], [0], [0, 0, 1, 0], [], []>, transpose_lhs_hint = false} : vector<2048x256xf32>, vector<2304x256xf32>, vector<2048x2304xf32> -> vector<2048x2304xf32>
    %sub3A_16 = vector.broadcast %broadcast_in_dim3A_11 : vector<2048x1xf32> to vector<2048x2304xf32>
    %sub3A_17 = arith.subf %sub3A_16, %dot_general3A_15 : vector<2048x2304xf32>
    %reduce_min3A = arith.constant dense<0x7F800000> : vector<2304xf32>
    %reduce_min3A_18 = vector.multi_reduction <minimumf>, %sub3A_17, %reduce_min3A [0] : vector<2048x2304xf32> to vector<2304xf32>
    %broadcast_in_dim3A_19 = vector.shape_cast %reduce_min3A_18 : vector<2304xf32> to vector<1x2304xf32>
    %argmin3A = tpu.reduce_index %sub3A_17 {axis = 0 : i32, kind = #tpu.reduction_kind<arg_min>} : vector<2048x2304xf32> -> vector<2304xi32>
    %reshape3A = vector.shape_cast %argmin3A : vector<2304xi32> to vector<1x2304xi32>
    %mul3A_20 = arith.constant 2048 : i32
    %mul3A_21 = arith.muli %arg0, %mul3A_20 : i32
    %add3A = vector.broadcast %mul3A_21 : i32 to vector<1x2304xi32>
    %add3A_22 = arith.addi %reshape3A, %add3A : vector<1x2304xi32>
    %get3A_23 = arith.constant 0 : index
    %get3A_24 = arith.constant 0 : index
    %get3A_25 = vector.load %arg8[%get3A_23, %get3A_24] : memref<1x2304xf32, #tpu.memory_space<vmem>>, vector<1x2304xf32>
    %lt3A = arith.cmpf olt, %broadcast_in_dim3A_19, %get3A_25 : vector<1x2304xf32>
    %get3A_26 = arith.constant 0 : index
    %get3A_27 = arith.constant 0 : index
    %get3A_28 = vector.load %arg9[%get3A_26, %get3A_27] : memref<1x2304xi32, #tpu.memory_space<vmem>>, vector<1x2304xi32>
    %select_n3A = arith.select %lt3A, %add3A_22, %get3A_28 : vector<1x2304xi1>, vector<1x2304xi32>
    %swap3A = arith.constant 0 : index
    %swap3A_29 = arith.constant 0 : index
    %swap3A_30 = vector.load %arg9[%swap3A, %swap3A_29] : memref<1x2304xi32, #tpu.memory_space<vmem>>, vector<1x2304xi32>
    tpu.vector_store %arg9[%swap3A, %swap3A_29], %select_n3A {strides = array<i32>} : memref<1x2304xi32, #tpu.memory_space<vmem>>, vector<1x2304xi32>,
    %get3A_31 = arith.constant 0 : index
    %get3A_32 = arith.constant 0 : index
    %get3A_33 = vector.load %arg8[%get3A_31, %get3A_32] : memref<1x2304xf32, #tpu.memory_space<vmem>>, vector<1x2304xf32>
    %select_n3A_34 = arith.select %lt3A, %broadcast_in_dim3A_19, %get3A_33 : vector<1x2304xi1>, vector<1x2304xf32>
    %swap3A_35 = arith.constant 0 : index
    %swap3A_36 = arith.constant 0 : index
    %swap3A_37 = vector.load %arg8[%swap3A_35, %swap3A_36] : memref<1x2304xf32, #tpu.memory_space<vmem>>, vector<1x2304xf32>
    tpu.vector_store %arg8[%swap3A_35, %swap3A_36], %select_n3A_34 {strides = array<i32>} : memref<1x2304xf32, #tpu.memory_space<vmem>>, vector<1x2304xf32>,
    %eq3A_38 = arith.constant 3 : i32
    %eq3A_39 = arith.cmpi eq, %arg0, %eq3A_38 : i32
    %convert_element_type3A_40 = arith.extui %eq3A_39 : i1 to i32
    %cond3A_41 = arith.constant 0 : i32
    %cond3A_42 = arith.cmpi ne, %convert_element_type3A_40, %cond3A_41 : i32
    scf.if %cond3A_42 {
      %get3A_43 = arith.constant 0 : index
      %get3A_44 = arith.constant 0 : index
      %get3A_45 = vector.load %arg9[%get3A_43, %get3A_44] : memref<1x2304xi32, #tpu.memory_space<vmem>>, vector<1x2304xi32>
      %swap3A_46 = arith.constant 0 : index
      %swap3A_47 = arith.constant 0 : index
      %swap3A_48 = vector.load %arg6[%swap3A_46, %swap3A_47] : memref<1x2304xi32, #tpu.memory_space<vmem>>, vector<1x2304xi32>
      tpu.vector_store %arg6[%swap3A_46, %swap3A_47], %get3A_45 {strides = array<i32>} : memref<1x2304xi32, #tpu.memory_space<vmem>>, vector<1x2304xi32>,
    } else {
    }
    return
  }
  func.func @transform_0(%arg0: i32) -> (i32, i32, i32) {
    %c0_i32 = arith.constant 0 : i32
    %c0_i32_0 = arith.constant 0 : i32
    %c0_i32_1 = arith.constant 0 : i32
    %c0_i32_2 = arith.constant 0 : i32
    return %c0_i32, %c0_i32_0, %c0_i32_1 : i32, i32, i32
  }
  func.func @transform_1(%arg0: i32) -> (i32, i32) {
    %c0_i32 = arith.constant 0 : i32
    %c0_i32_0 = arith.constant 0 : i32
    %c0_i32_1 = arith.constant 0 : i32
    return %c0_i32, %c0_i32_0 : i32, i32
  }
  func.func @transform_2(%arg0: i32) -> (i32, i32) {
    %c0_i32 = arith.constant 0 : i32
    %c0_i32_0 = arith.constant 0 : i32
    %c0_i32_1 = arith.constant 0 : i32
    return %c0_i32, %c0_i32_0 : i32, i32
  }
  func.func @transform_3(%arg0: i32) -> (i32, i32) {
    %c0_i32 = arith.constant 0 : i32
    %c0_i32_0 = arith.constant 0 : i32
    return %arg0, %c0_i32 : i32, i32
  }
  func.func @transform_4(%arg0: i32) -> (i32, i32) {
    %c0_i32 = arith.constant 0 : i32
    %c0_i32_0 = arith.constant 0 : i32
    %c0_i32_1 = arith.constant 0 : i32
    return %c0_i32, %c0_i32_0 : i32, i32
  }
  func.func @transform_5(%arg0: i32) -> (i32, i32) {
    %c0_i32 = arith.constant 0 : i32
    %c0_i32_0 = arith.constant 0 : i32
    %c0_i32_1 = arith.constant 0 : i32
    return %c0_i32, %c0_i32_0 : i32, i32
  }
}

module attributes {stable_mosaic.version = 14 : i64} {
  func.func @_out_body(%arg0: i32, %arg1: memref<576x256xf32, #tpu.memory_space<vmem>>, %arg2: memref<576x256xf32, #tpu.memory_space<vmem>>, %arg3: memref<512x256xf32, #tpu.memory_space<vmem>>, %arg4: memref<1x256xf32, #tpu.memory_space<vmem>>, %arg5: memref<576x256xf32, #tpu.memory_space<vmem>>) attributes {dimension_semantics = [#tpu.dimension_semantics<arbitrary>], iteration_bounds = array<i64: 4>, scalar_prefetch = 0 : i64, scratch_operands = 0 : i64, tpu.core_type = #tpu.core_type<tc>, window_params = [{transform_indices = @transform_0, window_bounds = array<i64: 576, 256>}, {transform_indices = @transform_1, window_bounds = array<i64: 576, 256>}, {pipeline_mode = #tpu.pipeline_mode<synchronous>, transform_indices = @transform_2, window_bounds = array<i64: 512, 256>}, {pipeline_mode = #tpu.pipeline_mode<synchronous>, transform_indices = @transform_3, window_bounds = array<i64: 1, 256>}, {transform_indices = @transform_4, window_bounds = array<i64: 576, 256>}]} {
    %get3A = arith.constant 0 : index
    %get3A_0 = arith.constant 0 : index
    %get3A_1 = vector.load %arg1[%get3A, %get3A_0] : memref<576x256xf32, #tpu.memory_space<vmem>>, vector<576x256xf32>
    %get3A_2 = arith.constant 0 : index
    %get3A_3 = arith.constant 0 : index
    %get3A_4 = vector.load %arg2[%get3A_2, %get3A_3] : memref<576x256xf32, #tpu.memory_space<vmem>>, vector<576x256xf32>
    %sub3A = arith.subf %get3A_1, %get3A_4 : vector<576x256xf32>
    %concatenate3A = tpu.concatenate %get3A_1, %sub3A in 1 : vector<576x256xf32>, vector<576x256xf32> -> vector<576x512xf32>
    %get3A_5 = arith.constant 0 : index
    %get3A_6 = arith.constant 0 : index
    %get3A_7 = vector.load %arg3[%get3A_5, %get3A_6] : memref<512x256xf32, #tpu.memory_space<vmem>>, vector<512x256xf32>
    %dot_general3A = arith.constant dense<0.000000e+00> : vector<576x256xf32>
    %dot_general3A_8 = tpu.matmul %concatenate3A, %get3A_7, %dot_general3A {dimension_numbers = #tpu.dot_dimension_numbers<[1], [0], [0], [1], [0, 0, 1, 1], [], []>, transpose_lhs_hint = false} : vector<576x512xf32>, vector<512x256xf32>, vector<576x256xf32> -> vector<576x256xf32>
    %get3A_9 = arith.constant 0 : index
    %get3A_10 = arith.constant 0 : index
    %get3A_11 = vector.load %arg4[%get3A_9, %get3A_10] : memref<1x256xf32, #tpu.memory_space<vmem>>, vector<1x256xf32>
    %add3A = vector.broadcast %get3A_11 : vector<1x256xf32> to vector<576x256xf32>
    %add3A_12 = arith.addf %dot_general3A_8, %add3A : vector<576x256xf32>
    %swap3A = arith.constant 0 : index
    %swap3A_13 = arith.constant 0 : index
    %swap3A_14 = vector.load %arg5[%swap3A, %swap3A_13] : memref<576x256xf32, #tpu.memory_space<vmem>>, vector<576x256xf32>
    tpu.vector_store %arg5[%swap3A, %swap3A_13], %add3A_12 {strides = array<i32>} : memref<576x256xf32, #tpu.memory_space<vmem>>, vector<576x256xf32>,
    return
  }
  func.func @transform_0(%arg0: i32) -> (i32, i32) {
    %c0_i32 = arith.constant 0 : i32
    %c0_i32_0 = arith.constant 0 : i32
    return %arg0, %c0_i32 : i32, i32
  }
  func.func @transform_1(%arg0: i32) -> (i32, i32) {
    %c0_i32 = arith.constant 0 : i32
    %c0_i32_0 = arith.constant 0 : i32
    return %arg0, %c0_i32 : i32, i32
  }
  func.func @transform_2(%arg0: i32) -> (i32, i32) {
    %c0_i32 = arith.constant 0 : i32
    %c0_i32_0 = arith.constant 0 : i32
    %c0_i32_1 = arith.constant 0 : i32
    return %c0_i32, %c0_i32_0 : i32, i32
  }
  func.func @transform_3(%arg0: i32) -> (i32, i32) {
    %c0_i32 = arith.constant 0 : i32
    %c0_i32_0 = arith.constant 0 : i32
    %c0_i32_1 = arith.constant 0 : i32
    return %c0_i32, %c0_i32_0 : i32, i32
  }
  func.func @transform_4(%arg0: i32) -> (i32, i32) {
    %c0_i32 = arith.constant 0 : i32
    %c0_i32_0 = arith.constant 0 : i32
    return %arg0, %c0_i32 : i32, i32
  }
}

</mosaic_0001>

<sc_bundles>
// kernel: kernel.5.cloned.1.call-start
scs
__scs_entry_jumppad:
0x0: {  	(pc) =	sbr.rel $0x88, $3  }
0x1: {  	(tag) =	ssettag $0x0;
	lr =	simm.s32 $0x1  }
0x2: {  	[smem:$0x3F9B] =	sst lr;
	_ =	strace $0xD0000000  }
0x3: {  	_ = 	snop  }
0x4: {  	_ = 	snop  }
0x5: {  	_ = 	snop  }
0x6: {  	_ = 	snop  }
0x7: {  	_ = 	snop  }
__scs_overlays_trampoline_lowered:
0x8: {  	[smem:$0x3FAA] =	sst s0  }
0x9: {  	[smem:$0x3FAB] =	sst s1  }
0xa: {  	[smem:$0x3FAC] =	sst s2  }
0xb: {  	[smem:$0x3FAD] =	sst s3  }
0xc: {  	[smem:$0x3FAE] =	sst s4  }
0xd: {  	[smem:$0x3FAF] =	sst s5  }
0xe: {  	[smem:$0x3FB0] =	sst s6  }
0xf: {  	[smem:$0x3FB1] =	sst s7  }
0x10: {  	[smem:$0x3FB2] =	sst s8  }
0x11: {  	[smem:$0x3FB3] =	sst s9;
	s0 =	simm.s32 @!p0 $0x0  }
0x12: {  	s1 =	sld [smem:$0x3F99];
	s0 =	simm.s32 @p0 $0x1  }
0x13: {  	[smem:$0x3FB4] =	sst s0;
	s0 =	simm.s32 @!p1 $0x0  }
0x14: {  	s2 =	sld [smem:$0x3F98];
	s0 =	simm.s32 @p1 $0x1  }
0x15: {  	[smem:$0x3FB5] =	sst s0;
	s0 =	simm.s32 @!p2 $0x0  }
0x16: {  	s3 =	sld [smem:$0x3FDB];
	s0 =	simm.s32 @p2 $0x1  }
0x17: {  	s4 =	simm.s32 $0x1BF5;
	[smem:$0x3FB7] =	sst s0  }
0x18: {  	s0 =	sld [smem:$0x3F9A];
	_ =	swait.ge [sflag:s4], $0x0  }
0x19: {  	s7 =	sld [smem:$0x3F9B]  }
0x1a: {  	s8 =	sadd.s32 $0xFFFFE003, lr  }
0x1b: {  	s9 =	sadd.s32 $0xFFFFFEF7, lr;
	s5 =	simm.s32 $0xFFFFFFFF;
	p2 =	slt.u32 s8, $0xFFFFF086  }
0x1c: {  	p1 =	slt.u32 s9, $0xF7A;
	s5 =	simm.s32 @!p2 $0x0  }
0x1d: {  	s5 =	simm.s32 @p1 $0x1;
	p0 =	seq.s32 s7, s2  }
0x1e: {  	s7 =	smul.u32 @!p0 $0xF7A, s2;
	p2 =	seq.s32 @!p0 s5, $0x0  }
0x1f: {  	s9 =	smul.u32 $0xF7A, s1;
	s8 =	simm.s32 @!p0 $0x1BF5;
	p2 =	por !p2, p0  }
0x20: {  	[sflag:s8] =	ssyncset.s32 @!p0 $0xFFFFF086;
	s6 =	sadd.s32 @!p0 s3, s7;
	s7 =	simm.s32 @!p0 $0x108  }
0x21: {  	s3 =	sadd.s32 s3, s9;
	s6 =	sadd.s32 @!p0 $0x88, s6;
	s7 =	simm.s32 @p2 $0x1082  }
0x22: {  	[simem:s7], [sflag:s8] =	dma.local @!p0 [hbm:s6], $0xF7A  }
0x23: {  	s9 =	sor.u32 $0xD0000000, s2;
	s6 =	simm.s32 $0x108;
	_ =	swait.ge @!p0 [sflag:s8], $0x0  }
0x24: {  	s3 =	sadd.s32 $0x88, s3;
	s6 =	simm.s32 @!p1 $0x1082;
	[sflag:s4] =	ssyncset.s32 $0xFFFFF086  }
0x25: {  	[simem:s6], [sflag:s4] =	dma.local [hbm:s3], $0xF7A  }
0x26: {  	[smem:$0x3F9B] =	sst s1;
	(tag) =	ssettag s2;
	_ =	strace s9  }
0x27: {  	s1 =	sld [smem:$0x3FAB]  }
0x28: {  	s2 =	sld [smem:$0x3FAC]  }
0x29: {  	s4 =	sld [smem:$0x3FAE]  }
0x2a: {  	p0 =	seq.s32 s5, $0x0;
	s5 =	sld [smem:$0x3FAF]  }
0x2b: {  	s6 =	sld [smem:$0x3FB0]  }
0x2c: {  	s7 =	sld [smem:$0x3FB1]  }
0x2d: {  	s3 =	simm.s32 $0x108;
	s8 =	sld [smem:$0x3FB2]  }
0x2e: {  	s3 =	simm.s32 @!p0 $0x1082;
	s9 =	sld [smem:$0x3FB3]  }
0x2f: {  	lr =	sadd.s32 s0, s3;
	s0 =	sld [smem:$0x3FAA]  }
0x30: {  	s3 =	sld [smem:$0x3FAD]  }
0x31: {  	[smem:$0x3FB6] =	sst s10  }
0x32: {  	s10 =	sld [smem:$0x3FB4];
	_ =	sdelay $0x3  }
0x33: {  	p0 =	seq.s32 s10, $0x1;
	s10 =	sld [smem:$0x3FB6];
	_ =	sdelay $0x3  }
0x34: {  	[smem:$0x3FB6] =	sst s10  }
0x35: {  	s10 =	sld [smem:$0x3FB5];
	_ =	sdelay $0x3  }
0x36: {  	p1 =	seq.s32 s10, $0x1;
	s10 =	sld [smem:$0x3FB6];
	_ =	sdelay $0x3  }
0x37: {  	[smem:$0x3FB6] =	sst s10  }
0x38: {  	s10 =	sld [smem:$0x3FB7]  }
0x39: {  	_ = 	snop;
	(pc) =	sbr.ind lr, $3  }
0x3a: {  	_ = 	snop  }
0x3b: {  	_ = 	snop  }
0x3c: {  	p2 =	seq.s32 s10, $0x1;
	s10 =	sld [smem:$0x3FB6]  }
0x3d: {  	_ =	shalt  }
0x3e: {  	_ =	shalt  }
0x3f: {  	_ =	shalt  }
0x40: {  	_ =	shalt  }
0x41: {  	_ =	shalt  }
0x42: {  	_ =	shalt  }
0x43: {  	_ =	shalt  }
0x44: {  	_ =	shalt  }
0x45: {  	_ =	shalt  }
0x46: {  	_ =	shalt  }
0x47: {  	_ =	shalt  }
0x48: {  	_ =	shalt  }
0x49: {  	_ =	shalt  }
0x4a: {  	_ =	shalt  }
0x4b: {  	_ =	shalt  }
0x4c: {  	_ =	shalt  }
0x4d: {  	_ =	shalt  }
0x4e: {  	_ =	shalt  }
0x4f: {  	_ =	shalt  }
0x50: {  	_ =	shalt  }
0x51: {  	_ =	shalt  }
0x52: {  	_ =	shalt  }
0x53: {  	_ =	shalt  }
0x54: {  	_ =	shalt  }
0x55: {  	_ =	shalt  }
0x56: {  	_ =	shalt  }
0x57: {  	_ =	shalt  }
0x58: {  	_ =	shalt  }
0x59: {  	_ =	shalt  }
0x5a: {  	_ =	shalt  }
0x5b: {  	_ =	shalt  }
0x5c: {  	_ =	shalt  }
0x5d: {  	_ =	shalt  }
0x5e: {  	_ =	shalt  }
0x5f: {  	_ =	shalt  }
0x60: {  	_ =	shalt  }
0x61: {  	_ =	shalt  }
0x62: {  	_ =	shalt  }
0x63: {  	_ =	shalt  }
0x64: {  	_ =	shalt  }
0x65: {  	_ =	shalt  }
0x66: {  	_ =	shalt  }
0x67: {  	_ =	shalt  }
0x68: {  	_ =	shalt  }
0x69: {  	_ =	shalt  }
0x6a: {  	_ =	shalt  }
0x6b: {  	_ =	shalt  }
0x6c: {  	_ =	shalt  }
0x6d: {  	_ =	shalt  }
0x6e: {  	_ =	shalt  }
0x6f: {  	_ =	shalt  }
0x70: {  	_ =	shalt  }
0x71: {  	_ =	shalt  }
0x72: {  	_ =	shalt  }
0x73: {  	_ =	shalt  }
0x74: {  	_ =	shalt  }
0x75: {  	_ =	shalt  }
0x76: {  	_ =	shalt  }
0x77: {  	_ =	shalt  }
0x78: {  	_ =	shalt  }
0x79: {  	_ =	shalt  }
0x7a: {  	_ =	shalt  }
0x7b: {  	_ =	shalt  }
0x7c: {  	_ =	shalt  }
0x7d: {  	_ =	shalt  }
0x7e: {  	_ =	shalt  }
0x7f: {  	_ =	shalt  }
0x80: {  	_ =	shalt  }
0x81: {  	_ =	shalt  }
0x82: {  	_ =	shalt  }
0x83: {  	_ =	shalt  }
0x84: {  	_ =	shalt  }
0x85: {  	_ =	shalt  }
0x86: {  	_ =	shalt  }
0x87: {  	_ =	shalt  }
.Lfunc_end0:
.L_simem_size_0:
called_computation_lowered:
.L_overlay_start_0:
0x88: {  	s2 =	sld [smem:$0x3FD9]  }
0x89: {  	s3 =	sld [smem:$0x3FFE];
	_ =	sdelay $0x1  }
0x8a: {  	s1 =	srdreg.scid  }
0x8b: {  	s0 =	sand.u32 $0x1, s1  }
0x8c: {  	s17 =	sshll.u32 s0, $0xA;
	s2 =	sadd.s32 s3, s2  }
0x8d: {  	s2 =	sadd.s32 s2, s17  }
0x8e: {  	[smem:$0x3FC2] =	sst s2  }
0x8f: {  	_ = 	snop  }
0x90: {  	s2 =	sld [smem:$0x3FC8]  }
0x91: {  	s18 =	sld [smem:$0x3FD0];
	(tm) =	ssettm $0x1  }
0x92: {  	s4 =	sld [smem:$0x3FFB];
	_ =	sdelay $0x3  }
0x93: {  	_ =	strace s4  }
0x94: {  	s4 =	sld [smem:$0x3FFC];
	_ =	sdelay $0x3  }
0x95: {  	_ =	strace s4  }
0x96: {  	s4 =	sld [smem:$0x3FFD];
	_ =	sdelay $0x3  }
0x97: {  	_ =	strace s4  }
0x98: {  	_ =	strace $0x8FFFFFFF  }
0x99: {  	s19 =	sld [smem:$0x3FDB];
	_ =	sdelay $0x1  }
0x9a: {  	s5 =	simm.s32 $_scs_section_size  }
0x9b: {  	s6 =	simm.s32 $_size__tile_overlayer_lowered;
	s7 =	simm.s32 $_tile_overlayer_lowered  }
0x9c: {  	s22 =	simm.s32 $0x1BFF;
	s21 =	sshll.u32 s7, $0x1;
	s4 =	sadd.s32 s5, s19  }
0x9d: {  	s8 =	simm.s32 $0x0;
	s20 =	sshll.u32 s6, $0x1;
	s6 =	sadd.s32 s21, s4  }
0x9e: {  	[timem:s8], [sflag:s22] =	dma.local [hbm:s6], s20  }
0x9f: {  	_ =	swait.ge [sflag:s22], s20  }
0xa0: {  	s5 =	ssub.s32 $0x0, s20;
	[sflag:s22] =	ssyncset.done $0x0  }
0xa1: {  	[sflag:s22] =	ssyncadd.s32 s5;
	_ =	sdelay $0x1  }
0xa2: {  	s23 =	simm.s32 $0x1B8B  }
0xa3: {  	_ =	swait.ge [sflag:s23], $0x1  }
0xa4: {  	[sflag:s23] =	ssyncset.done $0x0  }
0xa5: {  	s25 =	simm.s32 $0x1B8E;
	s24 =	sld [smem:$0x3FFE];
	[sflag:s23] =	ssyncadd.s32 $0xFFFFFFFF  }
0xa6: {  	s26 =	simm.s32 $execute0_lowered;
	[smem:$0x3FD2] =	sst s25  }
0xa7: {  	s6 =	sshll.u32 s26, $0x1;
	_ =	strace $0x80000046;
	[dreg:$0x1] =	wrdreg $0xFFFFFFFF  }
0xa8: {  	s28 =	simm.s32 $_size_execute0_lowered;
	s4 =	sadd.s32 s4, s6;
	[dreg:$0x0] =	wrdreg $0x0  }
0xa9: {  	s6 =	sshll.u32 s28, $0x1;
	[dreg:$0x2] =	wrdreg s4  }
0xaa: {  	[dreg:$0x3] =	wrdreg s6  }
0xab: {  	[dreg:$0x4] =	wrdreg $0xC0  }
0xac: {  	_ =	task [dreg:s8], $0x5FFFF  }
0xad: {  	[dreg:$0x1] =	wrdreg $0xFFFFFFFF  }
0xae: {  	[dreg:$0x0] =	wrdreg $0x60  }
0xaf: {  	[dreg:$0x2] =	wrdreg s2  }
0xb0: {  	[dreg:$0x3] =	wrdreg s24  }
0xb1: {  	[dreg:$0x4] =	wrdreg s18  }
0xb2: {  	[dreg:$0x5] =	wrdreg $0x9  }
0xb3: {  	_ =	task.clear_ibuf [dreg:s8], $0x6FFFF;
	_ =	strace $0x90000046  }
0xb4: {  	s29 =	simm.s32 $0x9;
	_ =	strace $0x80000048  }
0xb5: {  	_ =	swait.ge [sflag:s29], $0x1  }
0xb6: {  	[sflag:s29] =	ssyncadd.s32 $0xFFFFFFFF  }
0xb7: {  	_ =	strace $0x90000048  }
0xb8: {  	_ =	sfence  }
0xb9: {  	s30 =	sld [smem:$0x0];
	_ =	sdelay $0x2  }
0xba: {  	s31 =	sshll.u32 s1, $0xD;
	s1 =	sshrl.u32 s1, $0x2  }
0xbb: {  	s3 =	sand.u32 $0x4000, s31;
	s1 =	sadd.s32 s1, s30  }
0xbc: {  	s0 =	sor.u32 s3, s0;
	s1 =	sshll.u32 s1, $0x11  }
0xbd: {  	s0 =	sor.u32 s1, s0  }
0xbe: {  	s0 =	sadd.s32 $0x8F2B, s0  }
0xbf: {  	[sflag:s0] =	ssyncadd.remote.s32 $0x1  }
0xc0: {  	_ =	sfence.sel $0xFFFF  }
0xc1: {  	[dreg:$0x0] =	wrdreg $0xFFFFFFFF;
	(pc) =	sbr.abs _section_cstart, $3  }
0xc2: {  	[dreg:$0x1] =	wrdreg $0xFFFFFFFF  }
0xc3: {  	_ =	task.clear_ibuf [dreg:s8], $0x2FFFF;
	_ =	strace $0x9FFFFFFF  }
0xc4: {  	(tm) =	ssettm $0x7FFFFFFF  }
0xc5: {  	_ =	shalt  }
tec
execute0_lowered:
.L_overlay_start_1:
0x0: {  	(tag) =	ssettag $0x1  }
0x1: {  	s1 =	rddreg [dreg:$0x0]  }
0x2: {  	s2 =	srdreg.scid;
	s4 =	rddreg [dreg:$0x1]  }
0x3: {  	s0 =	stileid.u32;
	s6 =	rddreg [dreg:$0x2]  }
0x4: {  	s3 =	simm.s32 $0x0;
	s9 =	simm.s32 $0x880;
	s10 =	simm.s32 $0x1080  }
0x5: {  	s11 =	simm.s32 $0x1880;
	s12 =	simm.s32 $0x2080;
	s13 =	simm.s32 $0x2880  }
0x6: {  	s14 =	simm.s32 $0x3080;
	s5 =	sand.u32 $0x1, s2;
	s30 =	sshll.u32 s0, $0x1  }
0x7: {  	s15 =	simm.s32 $0x3880;
	s16 =	simm.s32 $0x4080;
	s7 =	sor.u32 s5, s30  }
0x8: {  	s17 =	simm.s32 $0x1;
	s2 =	rddreg [dreg:$0x3];
	s8 =	smul.u32 $0x9, s7  }
0x9: {  	[smem:$0x7FF] =	sst s3;
	s5 =	ssub.s32 $0x2, s5;
	s7 =	smul.u32 $0x900, s7  }
0xa: {  	v2 =	vlaneseq.u32;
	_ =	strace $0x80000047;
	s31 =	sshrl.u32 s5, $0x1;
	s4 =	sadd.s32 s8, s4  }
0xb: {  	vm0 =	vmmov $0xffff;
	v1 =	vshrl.u32 v2, $0x3;
	s8 =	ssub.s32 s5, s31;
	s5 =	sadd.s32 s6, s7;
	s7 =	simm.s32 $0x2  }
0xc: {  	v0 =	vand.u32 $0x7, v2;
	v2 =	vor.u32 $0x8, v2;
	v1 =	vmul.u32 $0x8, v1;
	s4 =	sadd.s32 $0xC00, s4;
	s6 =	smax.u32 s8, $0x1;
	s8 =	simm.s32 $0x80  }
.LBB2_1:
0xd: {  	[tilespmem:s3], [sflag:$0x2] =	stream.linear.gather [hbm4b:s4+s3], $0x48, $0x38;
	[tilespmem:$0x4880] =	vst v63  }
0xe: {  	_ =	swait.ge [sflag:s7], $0x48  }
0xf: {  	[sflag:s7] =	ssyncset.done $0x0  }
0x10: {  	[sflag:s7] =	ssyncadd.s32 $0xFFFFFFB8  }
0x11: {  	v3 =	vld [tilespmem:$0x0];
	_ =	sdelay $0x4  }
0x12: {  	v4 =	vshll.u32 v3, $0x1  }
0x13: {  	v3 =	vand.u32 $0x7, v3;
	v4 =	vand.u32 $0xFFFFFFF0, v4  }
0x14: {  	v3 =	vor.u32 v3, v4  }
0x15: {  	v4 =	vperm.xlane v3, v0;
	_ =	sdelay $0x1  }
0x16: {  	v3 =	vperm.xlane v3, v2;
	v4 =	vadd.s32 v1, v4;
	_ =	sdelay $0x1  }
0x17: {  	v3 =	vadd.s32 v1, v3;
	_ =	sdelay $0x2  }
0x18: {  	[tilespmem:s8], [sflag:$0x1] =	stream.indirect_vreg.gather [hbm4b:s1+s3], $0x80, v4, vm0, $0xb8;
	[tilespmem:$0x4880] =	vst v63  }
0x19: {  	_ = 	snop  }
0x1a: {  	[tilespmem:s9], [sflag:$0x1] =	stream.indirect_vreg.gather [hbm4b:s1+s3], $0x80, v3, vm0, $0xb8;
	[tilespmem:$0x4880] =	vst v63  }
0x1b: {  	v3 =	vld [tilespmem:$0x10];
	_ =	sdelay $0x4  }
0x1c: {  	v60 =	vshll.u32 v3, $0x1  }
0x1d: {  	v3 =	vand.u32 $0x7, v3;
	v4 =	vand.u32 $0xFFFFFFF0, v60  }
0x1e: {  	v3 =	vor.u32 v3, v4  }
0x1f: {  	v4 =	vperm.xlane v3, v0;
	_ =	sdelay $0x1  }
0x20: {  	v3 =	vperm.xlane v3, v2;
	v4 =	vadd.s32 v1, v4;
	_ =	sdelay $0x1  }
0x21: {  	v3 =	vadd.s32 v1, v3;
	_ =	sdelay $0x2  }
0x22: {  	[tilespmem:s10], [sflag:$0x1] =	stream.indirect_vreg.gather [hbm4b:s1+s3], $0x80, v4, vm0, $0xb8;
	[tilespmem:$0x4880] =	vst v63  }
0x23: {  	_ = 	snop  }
0x24: {  	[tilespmem:s11], [sflag:$0x1] =	stream.indirect_vreg.gather [hbm4b:s1+s3], $0x80, v3, vm0, $0xb8;
	[tilespmem:$0x4880] =	vst v63  }
0x25: {  	v3 =	vld [tilespmem:$0x20];
	_ =	sdelay $0x4  }
0x26: {  	v61 =	vshll.u32 v3, $0x1  }
0x27: {  	v3 =	vand.u32 $0x7, v3;
	v4 =	vand.u32 $0xFFFFFFF0, v61  }
0x28: {  	v3 =	vor.u32 v3, v4  }
0x29: {  	v4 =	vperm.xlane v3, v0;
	_ =	sdelay $0x1  }
0x2a: {  	v3 =	vperm.xlane v3, v2;
	v4 =	vadd.s32 v1, v4;
	_ =	sdelay $0x1  }
0x2b: {  	v3 =	vadd.s32 v1, v3;
	_ =	sdelay $0x2  }
0x2c: {  	[tilespmem:s12], [sflag:$0x1] =	stream.indirect_vreg.gather [hbm4b:s1+s3], $0x80, v4, vm0, $0xb8;
	[tilespmem:$0x4880] =	vst v63  }
0x2d: {  	_ = 	snop  }
0x2e: {  	[tilespmem:s13], [sflag:$0x1] =	stream.indirect_vreg.gather [hbm4b:s1+s3], $0x80, v3, vm0, $0xb8;
	[tilespmem:$0x4880] =	vst v63  }
0x2f: {  	v3 =	vld [tilespmem:$0x30];
	_ =	sdelay $0x4  }
0x30: {  	v62 =	vshll.u32 v3, $0x1  }
0x31: {  	v3 =	vand.u32 $0x7, v3;
	v4 =	vand.u32 $0xFFFFFFF0, v62  }
0x32: {  	v3 =	vor.u32 v3, v4  }
0x33: {  	v4 =	vperm.xlane v3, v0;
	_ =	sdelay $0x1  }
0x34: {  	v3 =	vperm.xlane v3, v2;
	v4 =	vadd.s32 v1, v4;
	_ =	sdelay $0x1  }
0x35: {  	v3 =	vadd.s32 v1, v3;
	_ =	sdelay $0x2  }
0x36: {  	[tilespmem:s14], [sflag:$0x1] =	stream.indirect_vreg.gather [hbm4b:s1+s3], $0x80, v4, vm0, $0xb8;
	[tilespmem:$0x4880] =	vst v63  }
0x37: {  	_ = 	snop  }
0x38: {  	[tilespmem:s15], [sflag:$0x1] =	stream.indirect_vreg.gather [hbm4b:s1+s3], $0x80, v3, vm0, $0xb8;
	[tilespmem:$0x4880] =	vst v63  }
0x39: {  	v3 =	vld.msk [tilespmem:$0x40], $0xff;
	_ =	sdelay $0x4  }
0x3a: {  	v63 =	vshll.u32 v3, $0x1  }
0x3b: {  	v3 =	vand.u32 $0x7, v3;
	v4 =	vand.u32 $0xFFFFFFF0, v63  }
0x3c: {  	v3 =	vor.u32 v3, v4  }
0x3d: {  	v3 =	vperm.xlane v3, v0;
	_ =	sdelay $0x1  }
0x3e: {  	v3 =	vadd.s32 v1, v3;
	_ =	sdelay $0x4  }
0x3f: {  	[tilespmem:s16], [sflag:$0x1] =	stream.indirect_vreg.gather [hbm4b:s1+s3], $0x80, v3, vm0, $0xb8;
	[tilespmem:$0x4880] =	vst v63  }
0x40: {  	_ =	swait.ge [sflag:s17], $0x4800  }
0x41: {  	p0 =	sne.s32 s6, $0x1;
	[sflag:s17] =	ssyncset.done $0x0  }
.Ltmp0:
0x42: {  	[sflag:s17] =	ssyncadd.s32 $0xFFFFB800;
	(pc) =	sbr.rel @p0 .LBB2_1-.Ltmp0, $4  }
0x43: {  	[hbm4b:s5+s3] =	stream.linear.scatter [tilespmem:s8], [sflag:$0x2], $0x4800, $0x38;
	[tilespmem:$0x4880] =	vst v63  }
0x44: {  	_ =	swait.ge [sflag:s7], $0x4800  }
0x45: {  	[sflag:s7] =	ssyncset.done $0x0  }
0x46: {  	s6 =	sadd.s32 $0xFFFFFFFF, s6;
	[sflag:s7] =	ssyncadd.s32 $0xFFFFB800  }
0x47: {  	_ =	sfence.sel $0x180000  }
0x48: {  	[bflag:$0x0] =	sbarrier.arrive $0xFFFF  }
0x49: {  	p0 =	sne.s32 s0, $0x0;
	_ =	strace $0x90000047  }
0x4a: {  	s0 =	sadd.s32 @!p0 $0x100000, s2;
	[bflag:$0x2] =	sbarrier.arrive $0xFFFF  }
0x4b: {  	[sflag:s0] =	ssyncadd.tile.s32 @!p0 $0x1;
	_ =	shalt  }
.Lfunc_end2:
_tile_overlayer_lowered:
.L_overlay_start_2:
0x4c: {  	(tag) =	ssettag $0x2  }
0x4d: {  	s0 =	rddreg [dreg:$0x0];
	s2 =	stileid.u32  }
0x4e: {  	s1 =	rddreg [dreg:$0x1];
	p0 =	sne.s32 s2, $0x0  }
0x4f: {  	s3 =	rddreg [dreg:$0x2];
	[bflag:$0x3] =	sbarrier.arrive $0xFFFF;
	s2 =	simm.s32 @!p0 $0x1C02  }
0x50: {  	[timem:s3], [sflag:s2] =	dma.local @!p0 [hbm:s0], s1  }
0x51: {  	s0 =	simm.s32 @!p0 $0x2  }
0x52: {  	_ =	swait.ge @!p0 [sflag:s0], s1  }
0x53: {  	s1 =	ssub.s32 @!p0 $0x0, s1;
	[sflag:s0] =	ssyncset.done @!p0 $0x0  }
0x54: {  	[sflag:s0] =	ssyncadd.s32 @!p0 s1  }
0x55: {  	[bflag:$0x3] =	sbarrier.arrive $0xFFFF  }
0x56: {  	_ =	shalt  }

</sc_bundles>
